<compile_context>
chip_gen: v7x
topology: tpu7x:2x2x1
jax: 0.10.2.dev20260603
libtpu: 0.0.44.dev20260713+nightly
codegen_flags: <defaults>
</compile_context>

<pallas_src>
import functools

import jax
import jax.numpy as jnp
from jax import lax
from jax.experimental import pallas as pl
from jax.experimental.pallas import tpu as pltpu

_E = 8
_K = 2
_FT = 512


def _ffn_body(xe_ref, w1a_ref, w1b_ref, w2_ref, w_ref, out_ref, acc_ref):
    f = pl.program_id(1)
    xe = xe_ref[...]
    w1a = w1a_ref[0].astype(jnp.bfloat16)
    w1b = w1b_ref[0].astype(jnp.bfloat16)
    dn = (((1,), (1,)), ((), ()))
    h1 = lax.dot_general(xe, w1a, dn, preferred_element_type=jnp.float32)
    h2 = lax.dot_general(xe, w1b, dn, preferred_element_type=jnp.float32)
    act = h1 * (h2 * jax.nn.sigmoid(h2))
    act = act * w_ref[0, 0][:, None]
    contrib = lax.dot_general(act.astype(jnp.bfloat16),
                              w2_ref[0].astype(jnp.bfloat16), dn,
                              preferred_element_type=jnp.float32)

    @pl.when(f == 0)
    def _init():
        acc_ref[...] = contrib

    @pl.when(f > 0)
    def _acc():
        acc_ref[...] += contrib

    @pl.when(f == pl.num_programs(1) - 1)
    def _emit():
        out_ref[0] = acc_ref[...].astype(jnp.bfloat16)


def _expert_ffn(xe, w_sel, W1, W2):
    E, C, D = xe.shape
    d_ff = W2.shape[2]
    nf = d_ff // _FT
    xe2 = xe.reshape(E * C, D)
    grid = (E, nf)
    return pl.pallas_call(
        _ffn_body,
        grid=grid,
        in_specs=[
            pl.BlockSpec((C, D), lambda e, f: (e, 0)),
            pl.BlockSpec((1, _FT, D), lambda e, f: (e, f, 0)),
            pl.BlockSpec((1, _FT, D), lambda e, f: (e, nf + f, 0)),
            pl.BlockSpec((1, D, _FT), lambda e, f: (e, 0, f)),
            pl.BlockSpec((1, 1, C), lambda e, f: (e, 0, 0)),
        ],
        out_specs=pl.BlockSpec((1, C, D), lambda e, f: (e, 0, 0)),
        out_shape=jax.ShapeDtypeStruct((E, C, D), jnp.bfloat16),
        scratch_shapes=[pltpu.VMEM((C, D), jnp.float32)],
        compiler_params=pltpu.CompilerParams(
            vmem_limit_bytes=100 * 1024 * 1024),
    )(xe2, W1, W1, W2, w_sel.reshape(E, 1, C))


@functools.partial(jax.jit, static_argnames=())
def kernel(x, Wg, W1, W2):
    b, s, d = x.shape
    T = b * s
    C = T // _E
    flat_x = x.reshape(T, d)

    gate_logits = flat_x @ Wg.T
    gate_scores = jax.nn.softmax(gate_logits, axis=-1)
    topk_vals, topk_idx = lax.top_k(gate_scores, _K)
    phi_mean = gate_scores.mean(axis=0)
    aux_loss = _E * jnp.sum(phi_mean * phi_mean)

    sel = (topk_idx[:, :, None] == jnp.arange(_E)[None, None, :]).any(axis=1)
    score = jnp.where(sel.T, gate_scores.T, -jnp.inf)
    sel_w, sel_pos = lax.top_k(score, C)
    w_sel = jnp.where(jnp.isfinite(sel_w), sel_w, 0.0)

    flat_bf = flat_x.astype(jnp.bfloat16)
    xe = flat_bf[sel_pos.reshape(-1)].reshape(_E, C, d)
    out = _expert_ffn(xe, w_sel, W1, W2)

    rows1 = (jnp.arange(_E * C, dtype=jnp.int32) + 1).reshape(_E, C)
    rowmap = jnp.zeros((_E, T), jnp.int32).at[
        jnp.arange(_E, dtype=jnp.int32)[:, None], sel_pos].set(
        rows1, unique_indices=True, indices_are_sorted=False)
    rk = jnp.take_along_axis(rowmap.T, topk_idx, axis=1)
    m = (rk > 0).astype(jnp.float32)
    g = out.reshape(_E * C, d)[jnp.maximum(rk - 1, 0).reshape(-1)]
    g = g.reshape(T, _K, d).astype(jnp.float32)
    combined = jnp.einsum("tk,tkd->td", m, g)
    return combined.reshape(b, s, d), aux_loss

# --- scband reference (transcript-rebuilt; emitter-appended) ---
"""Pipeline reference for scband-mo-epositionwise-feed-forward-1649267442344 (READ-ONLY COPY).

The authoritative reference and input builder live on the scoring server;
editing this copy changes nothing except your own understanding.
"""

import jax, jax.numpy as jnp
import numpy as np

B, S = 2, 2048
D_MODEL, D_FF = 1024, 2048
NUM_EXPERTS, TOP_K = 8, 2
CAPACITY_FACTOR = 1.0


def setup_inputs(seed: int = 0) -> dict:
    key = jax.random.key(seed)
    k0, k1, k2, k3 = jax.random.split(key, 4)
    x = jax.random.normal(k0, (B, S, D_MODEL), dtype=jnp.float32)
    Wg = jax.random.normal(k1, (NUM_EXPERTS, D_MODEL), dtype=jnp.float32) * (1.0 / np.sqrt(D_MODEL))
    W1 = jax.random.normal(k2, (NUM_EXPERTS, 2 * D_FF, D_MODEL), dtype=jnp.float32) * (1.0 / np.sqrt(D_MODEL))
    W2 = jax.random.normal(k3, (NUM_EXPERTS, D_MODEL, D_FF), dtype=jnp.float32) * (1.0 / np.sqrt(D_FF))
    return {"x": x, "Wg": Wg, "W1": W1, "W2": W2}


def _moe_forward(x, Wg, W1, W2):
    # Eval-mode forward (no gate noise, dropout=0), faithful to the torch module.
    b, s, d = x.shape
    total_tokens = b * s
    flat_x = x.reshape(total_tokens, d)
    gate_logits = flat_x @ Wg.T  # (T, E)
    gate_scores = jax.nn.softmax(gate_logits, axis=-1)
    topk_vals, topk_idx = jax.lax.top_k(gate_scores, TOP_K)
    phi_mean = gate_scores.mean(axis=0)
    aux_loss = NUM_EXPERTS * jnp.sum(phi_mean * phi_mean)
    capacity = max(1, int(CAPACITY_FACTOR * total_tokens / NUM_EXPERTS))
    combined_flat = jnp.zeros_like(flat_x)
    for e in range(NUM_EXPERTS):
        one_hot = (topk_idx == e)                       # (T, top_k) bool
        mask_e = one_hot.any(axis=1)                    # (T,) token routed to expert e
        weights_per_token = jnp.sum(one_hot.astype(gate_scores.dtype) * topk_vals, axis=1)  # (T,)
        # capacity control: keep the `capacity` highest-weight routed tokens (static shape)
        score = jnp.where(mask_e, weights_per_token, -jnp.inf)
        sel_w, sel_pos = jax.lax.top_k(score, capacity)  # (capacity,)
        valid = jnp.isfinite(sel_w)
        w_sel = jnp.where(valid, sel_w, 0.0)
        inputs_e = flat_x[sel_pos]                       # (capacity, d_model) gather
        h = inputs_e @ W1[e].T                           # (capacity, 2*d_ff)
        x1, x2 = jnp.split(h, 2, axis=-1)
        act = x1 * jax.nn.silu(x2)                       # SwiGLU
        outputs_e = act @ W2[e].T                        # (capacity, d_model)
        combined_flat = combined_flat.at[sel_pos].add(outputs_e * w_sel[:, None])  # scatter-add
    combined = combined_flat.reshape(b, s, d)
    return combined, aux_loss


def reference(x, Wg, W1, W2):
    return _moe_forward(x, Wg, W1, W2)

if __name__ == "__main__":
    import jax
    _d = setup_inputs()
    print(jax.jit(kernel)(*tuple(_d.values())))

</pallas_src>

<mosaic_0001>
module attributes {stable_mosaic.version = 14 : i64} {
  func.func @_ffn_body(%arg0: i32, %arg1: i32, %arg2: memref<512x1024xbf16, #tpu.memory_space<vmem>>, %arg3: memref<1x512x1024xf32, #tpu.memory_space<vmem>>, %arg4: memref<1x512x1024xf32, #tpu.memory_space<vmem>>, %arg5: memref<1x1024x512xf32, #tpu.memory_space<vmem>>, %arg6: memref<1x1x512xf32, #tpu.memory_space<vmem>>, %arg7: memref<1x512x1024xbf16, #tpu.memory_space<vmem>>, %arg8: memref<512x1024xf32, #tpu.memory_space<vmem>>) attributes {dimension_semantics = [#tpu.dimension_semantics<arbitrary>, #tpu.dimension_semantics<arbitrary>], iteration_bounds = array<i64: 8, 4>, scalar_prefetch = 0 : i64, scratch_operands = 1 : i64, tpu.core_type = #tpu.core_type<tc>, window_params = [{transform_indices = @transform_0, window_bounds = array<i64: 512, 1024>}, {transform_indices = @transform_1, window_bounds = array<i64: 1, 512, 1024>}, {transform_indices = @transform_2, window_bounds = array<i64: 1, 512, 1024>}, {transform_indices = @transform_3, window_bounds = array<i64: 1, 1024, 512>}, {transform_indices = @transform_4, window_bounds = array<i64: 1, 1, 512>}, {transform_indices = @transform_5, window_bounds = array<i64: 1, 512, 1024>}]} {
    %get3A = arith.constant 0 : index
    %get3A_0 = arith.constant 0 : index
    %get3A_1 = vector.load %arg2[%get3A, %get3A_0] : memref<512x1024xbf16, #tpu.memory_space<vmem>>, vector<512x1024xbf16>
    %get3A_2 = arith.constant 0 : index
    %get3A_3 = arith.constant 0 : index
    %get3A_4 = arith.constant 0 : index
    %get3A_5 = vector.load %arg3[%get3A_2, %get3A_3, %get3A_4] : memref<1x512x1024xf32, #tpu.memory_space<vmem>>, vector<1x512x1024xf32>
    %get3A_6 = vector.shape_cast %get3A_5 : vector<1x512x1024xf32> to vector<512x1024xf32>
    %convert_element_type3A = arith.truncf %get3A_6 : vector<512x1024xf32> to vector<512x1024xbf16>
    %get3A_7 = arith.constant 0 : index
    %get3A_8 = arith.constant 0 : index
    %get3A_9 = arith.constant 0 : index
    %get3A_10 = vector.load %arg4[%get3A_7, %get3A_8, %get3A_9] : memref<1x512x1024xf32, #tpu.memory_space<vmem>>, vector<1x512x1024xf32>
    %get3A_11 = vector.shape_cast %get3A_10 : vector<1x512x1024xf32> to vector<512x1024xf32>
    %convert_element_type3A_12 = arith.truncf %get3A_11 : vector<512x1024xf32> to vector<512x1024xbf16>
    %dot_general3A = arith.constant dense<0.000000e+00> : vector<512x512xf32>
    %dot_general3A_13 = tpu.matmul %get3A_1, %convert_element_type3A, %dot_general3A {dimension_numbers = #tpu.dot_dimension_numbers<[1], [1], [0], [0], [0, 0, 1, 0], [], []>, transpose_lhs_hint = false} : vector<512x1024xbf16>, vector<512x1024xbf16>, vector<512x512xf32> -> vector<512x512xf32>
    %dot_general3A_14 = arith.constant dense<0.000000e+00> : vector<512x512xf32>
    %dot_general3A_15 = tpu.matmul %get3A_1, %convert_element_type3A_12, %dot_general3A_14 {dimension_numbers = #tpu.dot_dimension_numbers<[1], [1], [0], [0], [0, 0, 1, 0], [], []>, transpose_lhs_hint = false} : vector<512x1024xbf16>, vector<512x1024xbf16>, vector<512x512xf32> -> vector<512x512xf32>
    %logistic3A = arith.negf %dot_general3A_15 : vector<512x512xf32>
    %logistic3A_16 = math.exp %logistic3A : vector<512x512xf32>
    %logistic3A_17 = arith.constant 1.000000e+00 : f32
    %logistic3A_18 = vector.broadcast %logistic3A_17 : f32 to vector<512x512xf32>
    %logistic3A_19 = arith.addf %logistic3A_18, %logistic3A_16 : vector<512x512xf32>
    %logistic3A_20 = arith.divf %logistic3A_18, %logistic3A_19 : vector<512x512xf32>
    %mul3A = arith.mulf %dot_general3A_15, %logistic3A_20 : vector<512x512xf32>
    %mul3A_21 = arith.mulf %dot_general3A_13, %mul3A : vector<512x512xf32>
    %get3A_22 = arith.constant 0 : index
    %get3A_23 = arith.constant 0 : index
    %get3A_24 = arith.constant 0 : index
    %get3A_25 = vector.load %arg6[%get3A_22, %get3A_23, %get3A_24] : memref<1x1x512xf32, #tpu.memory_space<vmem>>, vector<1x1x512xf32>
    %get3A_26 = vector.shape_cast %get3A_25 : vector<1x1x512xf32> to vector<512xf32>
    %broadcast_in_dim3A = vector.shape_cast %get3A_26 : vector<512xf32> to vector<512x1xf32>
    %mul3A_27 = vector.broadcast %broadcast_in_dim3A : vector<512x1xf32> to vector<512x512xf32>
    %mul3A_28 = arith.mulf %mul3A_21, %mul3A_27 : vector<512x512xf32>
    %convert_element_type3A_29 = arith.truncf %mul3A_28 : vector<512x512xf32> to vector<512x512xbf16>
    %get3A_30 = arith.constant 0 : index
    %get3A_31 = arith.constant 0 : index
    %get3A_32 = arith.constant 0 : index
    %get3A_33 = vector.load %arg5[%get3A_30, %get3A_31, %get3A_32] : memref<1x1024x512xf32, #tpu.memory_space<vmem>>, vector<1x1024x512xf32>
    %get3A_34 = vector.shape_cast %get3A_33 : vector<1x1024x512xf32> to vector<1024x512xf32>
    %convert_element_type3A_35 = arith.truncf %get3A_34 : vector<1024x512xf32> to vector<1024x512xbf16>
    %dot_general3A_36 = arith.constant dense<0.000000e+00> : vector<512x1024xf32>
    %dot_general3A_37 = tpu.matmul %convert_element_type3A_29, %convert_element_type3A_35, %dot_general3A_36 {dimension_numbers = #tpu.dot_dimension_numbers<[1], [1], [0], [0], [0, 0, 1, 0], [], []>, transpose_lhs_hint = false} : vector<512x512xbf16>, vector<1024x512xbf16>, vector<512x1024xf32> -> vector<512x1024xf32>
    %eq3A = arith.constant 0 : i32
    %eq3A_38 = arith.cmpi eq, %arg1, %eq3A : i32
    %convert_element_type3A_39 = arith.extui %eq3A_38 : i1 to i32
    %cond3A = arith.constant 0 : i32
    %cond3A_40 = arith.cmpi ne, %convert_element_type3A_39, %cond3A : i32
    scf.if %cond3A_40 {
      %swap3A = arith.constant 0 : index
      %swap3A_50 = arith.constant 0 : index
      %swap3A_51 = vector.load %arg8[%swap3A, %swap3A_50] : memref<512x1024xf32, #tpu.memory_space<vmem>>, vector<512x1024xf32>
      tpu.vector_store %arg8[%swap3A, %swap3A_50], %dot_general3A_37 {strides = array<i32>} : memref<512x1024xf32, #tpu.memory_space<vmem>>, vector<512x1024xf32>,
    } else {
    }
    %gt3A = arith.constant 0 : i32
    %gt3A_41 = arith.cmpi sgt, %arg1, %gt3A : i32
    %convert_element_type3A_42 = arith.extui %gt3A_41 : i1 to i32
    %cond3A_43 = arith.constant 0 : i32
    %cond3A_44 = arith.cmpi ne, %convert_element_type3A_42, %cond3A_43 : i32
    scf.if %cond3A_44 {
      %get3A_50 = arith.constant 0 : index
      %get3A_51 = arith.constant 0 : index
      %get3A_52 = vector.load %arg8[%get3A_50, %get3A_51] : memref<512x1024xf32, #tpu.memory_space<vmem>>, vector<512x1024xf32>
      %add3A = arith.addf %get3A_52, %dot_general3A_37 : vector<512x1024xf32>
      %swap3A = arith.constant 0 : index
      %swap3A_53 = arith.constant 0 : index
      %swap3A_54 = vector.load %arg8[%swap3A, %swap3A_53] : memref<512x1024xf32, #tpu.memory_space<vmem>>, vector<512x1024xf32>
      tpu.vector_store %arg8[%swap3A, %swap3A_53], %add3A {strides = array<i32>} : memref<512x1024xf32, #tpu.memory_space<vmem>>, vector<512x1024xf32>,
    } else {
    }
    %eq3A_45 = arith.constant 3 : i32
    %eq3A_46 = arith.cmpi eq, %arg1, %eq3A_45 : i32
    %convert_element_type3A_47 = arith.extui %eq3A_46 : i1 to i32
    %cond3A_48 = arith.constant 0 : i32
    %cond3A_49 = arith.cmpi ne, %convert_element_type3A_47, %cond3A_48 : i32
    scf.if %cond3A_49 {
      %get3A_50 = arith.constant 0 : index
      %get3A_51 = arith.constant 0 : index
      %get3A_52 = vector.load %arg8[%get3A_50, %get3A_51] : memref<512x1024xf32, #tpu.memory_space<vmem>>, vector<512x1024xf32>
      %convert_element_type3A_53 = arith.truncf %get3A_52 : vector<512x1024xf32> to vector<512x1024xbf16>
      %swap3A = arith.constant 0 : index
      %swap3A_54 = arith.constant 0 : index
      %swap3A_55 = arith.constant 0 : index
      %swap3A_56 = vector.load %arg7[%swap3A, %swap3A_54, %swap3A_55] : memref<1x512x1024xbf16, #tpu.memory_space<vmem>>, vector<1x512x1024xbf16>
      %swap3A_57 = vector.shape_cast %swap3A_56 : vector<1x512x1024xbf16> to vector<512x1024xbf16>
      %swap3A_58 = vector.shape_cast %convert_element_type3A_53 : vector<512x1024xbf16> to vector<1x512x1024xbf16>
      tpu.vector_store %arg7[%swap3A, %swap3A_54, %swap3A_55], %swap3A_58 {strides = array<i32>} : memref<1x512x1024xbf16, #tpu.memory_space<vmem>>, vector<1x512x1024xbf16>,
    } else {
    }
    return
  }
  func.func @transform_0(%arg0: i32, %arg1: i32) -> (i32, i32) {
    %c0_i32 = arith.constant 0 : i32
    %c0_i32_0 = arith.constant 0 : i32
    return %arg0, %c0_i32 : i32, i32
  }
  func.func @transform_1(%arg0: i32, %arg1: i32) -> (i32, i32, i32) {
    %c0_i32 = arith.constant 0 : i32
    %c0_i32_0 = arith.constant 0 : i32
    return %arg0, %arg1, %c0_i32 : i32, i32, i32
  }
  func.func @transform_2(%arg0: i32, %arg1: i32) -> (i32, i32, i32) {
    %add3A = arith.constant 4 : i32
    %add3A_0 = arith.addi %add3A, %arg1 : i32
    %c0_i32 = arith.constant 0 : i32
    %c0_i32_1 = arith.constant 0 : i32
    return %arg0, %add3A_0, %c0_i32 : i32, i32, i32
  }
  func.func @transform_3(%arg0: i32, %arg1: i32) -> (i32, i32, i32) {
    %c0_i32 = arith.constant 0 : i32
    %c0_i32_0 = arith.constant 0 : i32
    return %arg0, %c0_i32, %arg1 : i32, i32, i32
  }
  func.func @transform_4(%arg0: i32, %arg1: i32) -> (i32, i32, i32) {
    %c0_i32 = arith.constant 0 : i32
    %c0_i32_0 = arith.constant 0 : i32
    %c0_i32_1 = arith.constant 0 : i32
    return %arg0, %c0_i32, %c0_i32_0 : i32, i32, i32
  }
  func.func @transform_5(%arg0: i32, %arg1: i32) -> (i32, i32, i32) {
    %c0_i32 = arith.constant 0 : i32
    %c0_i32_0 = arith.constant 0 : i32
    %c0_i32_1 = arith.constant 0 : i32
    return %arg0, %c0_i32, %c0_i32_0 : i32, i32, i32
  }
}

</mosaic_0001>

<sc_bundles>
// kernel: gather_offload_async_start
scs
__scs_entry_jumppad:
0x0: {  	(pc) =	sbr.rel $0x88, $3  }
0x1: {  	(tag) =	ssettag $0x0;
	lr =	simm.s32 $0x1  }
0x2: {  	[smem:$0x3F9D] =	sst lr;
	_ =	strace $0xD0000000  }
0x3: {  	_ = 	snop  }
0x4: {  	_ = 	snop  }
0x5: {  	_ = 	snop  }
0x6: {  	_ = 	snop  }
0x7: {  	_ = 	snop  }
__scs_overlays_trampoline_lowered:
0x8: {  	[smem:$0x3FAC] =	sst s0  }
0x9: {  	[smem:$0x3FAD] =	sst s1  }
0xa: {  	[smem:$0x3FAE] =	sst s2  }
0xb: {  	[smem:$0x3FAF] =	sst s3  }
0xc: {  	[smem:$0x3FB0] =	sst s4  }
0xd: {  	[smem:$0x3FB1] =	sst s5  }
0xe: {  	[smem:$0x3FB2] =	sst s6  }
0xf: {  	[smem:$0x3FB3] =	sst s7  }
0x10: {  	[smem:$0x3FB4] =	sst s8  }
0x11: {  	[smem:$0x3FB5] =	sst s9;
	s0 =	simm.s32 @!p0 $0x0  }
0x12: {  	s1 =	sld [smem:$0x3F9B];
	s0 =	simm.s32 @p0 $0x1  }
0x13: {  	[smem:$0x3FB6] =	sst s0;
	s0 =	simm.s32 @!p1 $0x0  }
0x14: {  	s2 =	sld [smem:$0x3F9A];
	s0 =	simm.s32 @p1 $0x1  }
0x15: {  	[smem:$0x3FB7] =	sst s0;
	s0 =	simm.s32 @!p2 $0x0  }
0x16: {  	s3 =	sld [smem:$0x3FDB];
	s0 =	simm.s32 @p2 $0x1  }
0x17: {  	s4 =	simm.s32 $0x1BF5;
	[smem:$0x3FB9] =	sst s0  }
0x18: {  	s0 =	sld [smem:$0x3F9C];
	_ =	swait.ge [sflag:s4], $0x0  }
0x19: {  	s7 =	sld [smem:$0x3F9D]  }
0x1a: {  	s8 =	sadd.s32 $0xFFFFE003, lr  }
0x1b: {  	s9 =	sadd.s32 $0xFFFFFEF7, lr;
	s5 =	simm.s32 $0xFFFFFFFF;
	p2 =	slt.u32 s8, $0xFFFFF086  }
0x1c: {  	p1 =	slt.u32 s9, $0xF7A;
	s5 =	simm.s32 @!p2 $0x0  }
0x1d: {  	s5 =	simm.s32 @p1 $0x1;
	p0 =	seq.s32 s7, s2  }
0x1e: {  	s7 =	smul.u32 @!p0 $0xF7A, s2;
	p2 =	seq.s32 @!p0 s5, $0x0  }
0x1f: {  	s9 =	smul.u32 $0xF7A, s1;
	s8 =	simm.s32 @!p0 $0x1BF5;
	p2 =	por !p2, p0  }
0x20: {  	[sflag:s8] =	ssyncset.s32 @!p0 $0xFFFFF086;
	s6 =	sadd.s32 @!p0 s3, s7;
	s7 =	simm.s32 @!p0 $0x108  }
0x21: {  	s3 =	sadd.s32 s3, s9;
	s6 =	sadd.s32 @!p0 $0x88, s6;
	s7 =	simm.s32 @p2 $0x1082  }
0x22: {  	[simem:s7], [sflag:s8] =	dma.local @!p0 [hbm:s6], $0xF7A  }
0x23: {  	s9 =	sor.u32 $0xD0000000, s2;
	s6 =	simm.s32 $0x108;
	_ =	swait.ge @!p0 [sflag:s8], $0x0  }
0x24: {  	s3 =	sadd.s32 $0x88, s3;
	s6 =	simm.s32 @!p1 $0x1082;
	[sflag:s4] =	ssyncset.s32 $0xFFFFF086  }
0x25: {  	[simem:s6], [sflag:s4] =	dma.local [hbm:s3], $0xF7A  }
0x26: {  	[smem:$0x3F9D] =	sst s1;
	(tag) =	ssettag s2;
	_ =	strace s9  }
0x27: {  	s1 =	sld [smem:$0x3FAD]  }
0x28: {  	s2 =	sld [smem:$0x3FAE]  }
0x29: {  	s4 =	sld [smem:$0x3FB0]  }
0x2a: {  	p0 =	seq.s32 s5, $0x0;
	s5 =	sld [smem:$0x3FB1]  }
0x2b: {  	s6 =	sld [smem:$0x3FB2]  }
0x2c: {  	s7 =	sld [smem:$0x3FB3]  }
0x2d: {  	s3 =	simm.s32 $0x108;
	s8 =	sld [smem:$0x3FB4]  }
0x2e: {  	s3 =	simm.s32 @!p0 $0x1082;
	s9 =	sld [smem:$0x3FB5]  }
0x2f: {  	lr =	sadd.s32 s0, s3;
	s0 =	sld [smem:$0x3FAC]  }
0x30: {  	s3 =	sld [smem:$0x3FAF]  }
0x31: {  	[smem:$0x3FB8] =	sst s10  }
0x32: {  	s10 =	sld [smem:$0x3FB6];
	_ =	sdelay $0x3  }
0x33: {  	p0 =	seq.s32 s10, $0x1;
	s10 =	sld [smem:$0x3FB8];
	_ =	sdelay $0x3  }
0x34: {  	[smem:$0x3FB8] =	sst s10  }
0x35: {  	s10 =	sld [smem:$0x3FB7];
	_ =	sdelay $0x3  }
0x36: {  	p1 =	seq.s32 s10, $0x1;
	s10 =	sld [smem:$0x3FB8];
	_ =	sdelay $0x3  }
0x37: {  	[smem:$0x3FB8] =	sst s10  }
0x38: {  	s10 =	sld [smem:$0x3FB9]  }
0x39: {  	_ = 	snop;
	(pc) =	sbr.ind lr, $3  }
0x3a: {  	_ = 	snop  }
0x3b: {  	_ = 	snop  }
0x3c: {  	p2 =	seq.s32 s10, $0x1;
	s10 =	sld [smem:$0x3FB8]  }
0x3d: {  	_ =	shalt  }
0x3e: {  	_ =	shalt  }
0x3f: {  	_ =	shalt  }
0x40: {  	_ =	shalt  }
0x41: {  	_ =	shalt  }
0x42: {  	_ =	shalt  }
0x43: {  	_ =	shalt  }
0x44: {  	_ =	shalt  }
0x45: {  	_ =	shalt  }
0x46: {  	_ =	shalt  }
0x47: {  	_ =	shalt  }
0x48: {  	_ =	shalt  }
0x49: {  	_ =	shalt  }
0x4a: {  	_ =	shalt  }
0x4b: {  	_ =	shalt  }
0x4c: {  	_ =	shalt  }
0x4d: {  	_ =	shalt  }
0x4e: {  	_ =	shalt  }
0x4f: {  	_ =	shalt  }
0x50: {  	_ =	shalt  }
0x51: {  	_ =	shalt  }
0x52: {  	_ =	shalt  }
0x53: {  	_ =	shalt  }
0x54: {  	_ =	shalt  }
0x55: {  	_ =	shalt  }
0x56: {  	_ =	shalt  }
0x57: {  	_ =	shalt  }
0x58: {  	_ =	shalt  }
0x59: {  	_ =	shalt  }
0x5a: {  	_ =	shalt  }
0x5b: {  	_ =	shalt  }
0x5c: {  	_ =	shalt  }
0x5d: {  	_ =	shalt  }
0x5e: {  	_ =	shalt  }
0x5f: {  	_ =	shalt  }
0x60: {  	_ =	shalt  }
0x61: {  	_ =	shalt  }
0x62: {  	_ =	shalt  }
0x63: {  	_ =	shalt  }
0x64: {  	_ =	shalt  }
0x65: {  	_ =	shalt  }
0x66: {  	_ =	shalt  }
0x67: {  	_ =	shalt  }
0x68: {  	_ =	shalt  }
0x69: {  	_ =	shalt  }
0x6a: {  	_ =	shalt  }
0x6b: {  	_ =	shalt  }
0x6c: {  	_ =	shalt  }
0x6d: {  	_ =	shalt  }
0x6e: {  	_ =	shalt  }
0x6f: {  	_ =	shalt  }
0x70: {  	_ =	shalt  }
0x71: {  	_ =	shalt  }
0x72: {  	_ =	shalt  }
0x73: {  	_ =	shalt  }
0x74: {  	_ =	shalt  }
0x75: {  	_ =	shalt  }
0x76: {  	_ =	shalt  }
0x77: {  	_ =	shalt  }
0x78: {  	_ =	shalt  }
0x79: {  	_ =	shalt  }
0x7a: {  	_ =	shalt  }
0x7b: {  	_ =	shalt  }
0x7c: {  	_ =	shalt  }
0x7d: {  	_ =	shalt  }
0x7e: {  	_ =	shalt  }
0x7f: {  	_ =	shalt  }
0x80: {  	_ =	shalt  }
0x81: {  	_ =	shalt  }
0x82: {  	_ =	shalt  }
0x83: {  	_ =	shalt  }
0x84: {  	_ =	shalt  }
0x85: {  	_ =	shalt  }
0x86: {  	_ =	shalt  }
0x87: {  	_ =	shalt  }
.Lfunc_end0:
.L_simem_size_0:
called_computation_lowered:
.L_overlay_start_0:
0x88: {  	s2 =	sld [smem:$0x3FD9]  }
0x89: {  	s3 =	sld [smem:$0x3FFE];
	_ =	sdelay $0x1  }
0x8a: {  	s1 =	srdreg.scid  }
0x8b: {  	s0 =	sand.u32 $0x1, s1  }
0x8c: {  	s16 =	sshll.u32 s0, $0xA;
	s2 =	sadd.s32 s3, s2  }
0x8d: {  	s2 =	sadd.s32 s2, s16  }
0x8e: {  	[smem:$0x3FC4] =	sst s2  }
0x8f: {  	_ = 	snop  }
0x90: {  	(tm) =	ssettm $0x1  }
0x91: {  	s17 =	sld [smem:$0x3FFB];
	_ =	sdelay $0x3  }
0x92: {  	_ =	strace s17  }
0x93: {  	s2 =	sld [smem:$0x3FFC];
	_ =	sdelay $0x3  }
0x94: {  	_ =	strace s2  }
0x95: {  	s2 =	sld [smem:$0x3FFD];
	_ =	sdelay $0x3  }
0x96: {  	_ =	strace s2  }
0x97: {  	_ =	strace $0x8FFFFFFF  }
0x98: {  	s18 =	sld [smem:$0x3FDB];
	_ =	sdelay $0x1  }
0x99: {  	s19 =	simm.s32 $_scs_section_size  }
0x9a: {  	s4 =	simm.s32 $_size__tile_overlayer_lowered;
	s5 =	simm.s32 $_tile_overlayer_lowered  }
0x9b: {  	s22 =	simm.s32 $0x1BFF;
	s21 =	sshll.u32 s5, $0x1;
	s2 =	sadd.s32 s19, s18  }
0x9c: {  	s6 =	simm.s32 $0x0;
	s20 =	sshll.u32 s4, $0x1;
	s4 =	sadd.s32 s21, s2  }
0x9d: {  	[timem:s6], [sflag:s22] =	dma.local [hbm:s4], s20  }
0x9e: {  	_ =	swait.ge [sflag:s22], s20  }
0x9f: {  	s3 =	ssub.s32 $0x0, s20;
	[sflag:s22] =	ssyncset.done $0x0  }
0xa0: {  	[sflag:s22] =	ssyncadd.s32 s3;
	_ =	sdelay $0x1  }
0xa1: {  	s23 =	simm.s32 $0x1B8B  }
0xa2: {  	_ =	swait.ge [sflag:s23], $0x1  }
0xa3: {  	[sflag:s23] =	ssyncset.done $0x0  }
0xa4: {  	s25 =	simm.s32 $0x1B8E;
	s24 =	sld [smem:$0x3FFE];
	[sflag:s23] =	ssyncadd.s32 $0xFFFFFFFF  }
0xa5: {  	s26 =	simm.s32 $execute0_lowered;
	[smem:$0x3FD2] =	sst s25  }
0xa6: {  	s4 =	sshll.u32 s26, $0x1;
	_ =	strace $0x80000046;
	[dreg:$0x1] =	wrdreg $0xFFFFFFFF  }
0xa7: {  	s28 =	simm.s32 $_size_execute0_lowered;
	s2 =	sadd.s32 s2, s4;
	[dreg:$0x0] =	wrdreg $0x0  }
0xa8: {  	s4 =	sshll.u32 s28, $0x1;
	[dreg:$0x2] =	wrdreg s2  }
0xa9: {  	[dreg:$0x3] =	wrdreg s4  }
0xaa: {  	[dreg:$0x4] =	wrdreg $0xC0  }
0xab: {  	_ =	task [dreg:s6], $0x5FFFF  }
0xac: {  	[dreg:$0x1] =	wrdreg $0xFFFFFFFF  }
0xad: {  	[dreg:$0x0] =	wrdreg $0x60  }
0xae: {  	[dreg:$0x2] =	wrdreg s24  }
0xaf: {  	[dreg:$0x3] =	wrdreg $0x9  }
0xb0: {  	_ =	task.clear_ibuf [dreg:s6], $0x4FFFF;
	_ =	strace $0x90000046  }
0xb1: {  	s29 =	simm.s32 $0x9;
	_ =	strace $0x80000048  }
0xb2: {  	_ =	swait.ge [sflag:s29], $0x1  }
0xb3: {  	[sflag:s29] =	ssyncadd.s32 $0xFFFFFFFF  }
0xb4: {  	_ =	strace $0x90000048  }
0xb5: {  	_ =	sfence  }
0xb6: {  	s30 =	sld [smem:$0x0];
	_ =	sdelay $0x2  }
0xb7: {  	s31 =	sshll.u32 s1, $0xD;
	s1 =	sshrl.u32 s1, $0x2  }
0xb8: {  	s3 =	sand.u32 $0x4000, s31;
	s1 =	sadd.s32 s1, s30  }
0xb9: {  	s0 =	sor.u32 s3, s0;
	s1 =	sshll.u32 s1, $0x11  }
0xba: {  	s0 =	sor.u32 s1, s0  }
0xbb: {  	s0 =	sadd.s32 $0x8F2B, s0  }
0xbc: {  	[sflag:s0] =	ssyncadd.remote.s32 $0x1  }
0xbd: {  	_ =	sfence.sel $0xFFFF  }
0xbe: {  	[dreg:$0x0] =	wrdreg $0xFFFFFFFF;
	(pc) =	sbr.abs _section_cstart, $3  }
0xbf: {  	[dreg:$0x1] =	wrdreg $0xFFFFFFFF  }
0xc0: {  	_ =	task.clear_ibuf [dreg:s6], $0x2FFFF;
	_ =	strace $0x9FFFFFFF  }
0xc1: {  	(tm) =	ssettm $0x7FFFFFFF  }
tec
execute0_lowered:
.L_overlay_start_1:
0x0: {  	(tag) =	ssettag $0x1  }
0x1: {  	s0 =	srdreg.scid;
	s5 =	rddreg [dreg:$0x0]  }
0x2: {  	s1 =	stileid.u32;
	s6 =	simm.s32 $0x1;
	s9 =	simm.s32 $0x1  }
0x3: {  	s10 =	simm.s32 $0x3;
	s13 =	simm.s32 $0x0;
	s2 =	sshll.u32 s0, $0x7  }
0x4: {  	s12 =	simm.s32 $0x0;
	s3 =	sshll.u32 s1, $0x8;
	s2 =	sand.u32 $0x80, s2  }
0x5: {  	s0 =	rddreg [dreg:$0x1];
	_ =	strace $0x80000047;
	s2 =	sor.u32 s3, s2  }
0x6: {  	s4 =	sadd.s32 $0x2200, s5;
	[sflag:s6] =	ssyncpa.u1 $0x0;
	s8 =	ssub.s32 $0x2000, s2  }
.Ltmp0:
0x7: {  	s3 =	sadd.s32 $0x1200, s5;
	s7 =	sand.u32 $0xF80, s8;
	(pc) =	sbr.rel .LBB2_1-.Ltmp0, $4  }
0x8: {  	s5 =	sadd.s32 $0x2600, s5;
	s11 =	smov.u32 s2;
	p0 =	sne.s32 s7, $0x0  }
0x9: {  	s8 =	sshrl.u32 s8, $0xC;
	s7 =	simm.s32 $0x2;
	s9 =	simm.s32 @!p0 $0x0  }
0xa: {  	[sflag:s7] =	ssyncpa.u1 $0x0;
	p0 =	por $0x0, $0x0;
	s8 =	sadd.s32 s9, s8  }
0xb: {  	vm0 =	vmmov $0xffff;
	[sflag:s10] =	ssyncpa.u1 $0x0;
	s10 =	simm.s32 $0x0;
	s9 =	sadd.s32 $0x1, s8  }
.LBB2_4:
0xc: {  	v1 =	vsel vm1, $0xFFFFFFFF, v1;
	v2 =	vand.u32 $0x7, v2  }
0xd: {  	v2 =	vsel vm1, $0xFFFFFFFF, v2;
	v3 =	vshll.u32 v1, $0x3  }
0xe: {  	v4 =	vand.u32 $0xFFFF8000, v2;
	v3 =	vand.u32 $0xFFFFFC00, v3;
	v2 =	vshll.u32 v2, $0x7  }
0xf: {  	v3 =	vadd.s32 v3, v4;
	v2 =	vand.u32 $0x380, v2  }
0x10: {  	v1 =	vand.u32 $0x7F, v1;
	v2 =	vor.u32 v2, v3  }
0x11: {  	v1 =	vor.u32 v1, v2;
	_ =	sdelay $0x1  }
0x12: {  	(ifvalue) =	ssetifvalue $0x7FFFFFFF;
	s15 =	sadd.s32 $0x10, s15  }
0x13: {  	[tilespmem:s15], [sflag:$0x1] =	stream.indirect_vreg.gather [hbm4b:s3+s10], $0x1, v0, vm0, $0x4038;
	[tilespmem:$0x200] =	vst v63  }
0x14: {  	(ifvalue) =	ssetifvalue $0x7FFFFFFF;
	s15 =	sadd.s32 $0x10, s15  }
0x15: {  	[tilespmem:s15], [sflag:$0x1] =	stream.indirect_vreg.gather [hbm4b:s3+s10], $0x1, v1, vm0, $0x4038;
	[tilespmem:$0x200] =	vst v63  }
0x16: {  	_ =	swait.ge [sflag:s6], $0x80  }
0x17: {  	s30 =	sshrl.u32 s13, $0x3;
	[sflag:s6] =	ssyncset.done $0x0  }
0x18: {  	s31 =	sand.u32 $0x7, s13;
	s15 =	sadd.s32 s5, s30;
	[sflag:s6] =	ssyncadd.s32 $0xFFFFFF80  }
0x19: {  	[hbm4b:s15+s31] =	stream.linear.scatter [tilespmem:s14], [sflag:$0x3], $0x80, $0x38;
	[tilespmem:$0x200] =	vst v63  }
.LBB2_5:
0x1a: {  	s15 =	sadd.s32 $0x1000, s11  }
0x1b: {  	p2 =	sgt.s32 s15, $0x1FFF  }
0x1c: {  	s15 =	smov.u32 @p2 s2;
	p2 =	sne.s32 s12, s9  }
.Ltmp1:
0x1d: {  	p1 =	slt.u32 s12, $0x2;
	(pc) =	sbr.rel @!p2 .LBB2_6-.Ltmp1, $4  }
0x1e: {  	s14 =	simm.s32 @!p1 $0x3  }
0x1f: {  	s16 =	sadd.s32 $0x1, s12;
	_ =	swait.ge @!p1 [sflag:s14], $0x80  }
0x20: {  	s13 =	smov.u32 s11;
	p0 =	por !p0, !p0;
	[sflag:s14] =	ssyncset.done @!p1 $0x0  }
0x21: {  	s12 =	smov.u32 s16;
	s11 =	smov.u32 s15;
	[sflag:s14] =	ssyncadd.s32 @!p1 $0xFFFFFF80  }
.LBB2_1:
0x22: {  	p1 =	sge.u32 s12, s8  }
0x23: {  	s14 =	sxor.u32 @!p1 $0xFFFFFFFF, s12  }
0x24: {  	s31 =	sadd.s32 $0xFFFFFFFF, s12;
	s15 =	sshrl.u32 @!p1 s11, $0x3;
	s14 =	sshll.u32 @!p1 s14, $0x7  }
0x25: {  	s16 =	sand.u32 @!p1 $0x7, s11;
	s15 =	sadd.s32 @!p1 s4, s15;
	s14 =	sand.u32 @!p1 $0x80, s14  }
0x26: {  	[tilespmem:s14], [sflag:$0x2] =	stream.linear.gather @!p1 [hbm4b:s15+s16], $0x80, $0x38;
	[tilespmem:$0x200] =	vst v63  }
0x27: {  	p1 =	sge.u32 s31, s8  }
.Ltmp2:
0x28: {  	_ = 	snop;
	(pc) =	sbr.rel @p1 .LBB2_5-.Ltmp2, $1  }
0x29: {  	_ =	sdelay $0x3  }
0x2a: {  	s14 =	simm.s32 $0x1  }
0x2b: {  	_ =	swait.ge [sflag:s7], $0x80;
	s14 =	simm.s32 @!p0 $0x0  }
0x2c: {  	[sflag:s7] =	ssyncset.done $0x0;
	s14 =	sshll.u32 s14, $0x7  }
0x2d: {  	[sflag:s7] =	ssyncadd.s32 $0xFFFFFF80;
	(ifvalue) =	ssetifvalue $0x7FFFFFFF;
	v0 =	vld.msk [tilespmem:s14+$0x0 ss:$0x1], $0xffff;
	_ =	sdelay $0x3  }
0x2e: {  	s15 =	sadd.s32 $0x10, s14  }
0x2f: {  	v2 =	vld.msk [tilespmem:s15+$0x0 ss:$0x1], $0xffff;
	vm1 =	veq.s32 v0, $0x80000000;
	v1 =	vand.u32 $0xFFF, v0;
	v0 =	vshrl.u32 v0, $0xC  }
0x30: {  	v1 =	vsel vm1, $0xFFFFFFFF, v1;
	v0 =	vand.u32 $0x7, v0  }
0x31: {  	v0 =	vsel vm1, $0xFFFFFFFF, v0;
	v3 =	vshll.u32 v1, $0x3  }
0x32: {  	v4 =	vand.u32 $0xFFFF8000, v0;
	v3 =	vand.u32 $0xFFFFFC00, v3;
	v0 =	vshll.u32 v0, $0x7  }
0x33: {  	v3 =	vadd.s32 v3, v4;
	v0 =	vand.u32 $0x380, v0  }
0x34: {  	v1 =	vand.u32 $0x7F, v1;
	vm1 =	veq.s32 v2, $0x80000000;
	v0 =	vor.u32 v0, v3  }
0x35: {  	v0 =	vor.u32 v1, v0;
	v1 =	vand.u32 $0xFFF, v2;
	v2 =	vshrl.u32 v2, $0xC  }
0x36: {  	s17 =	sadd.s32 $0x10, s15;
	v1 =	vsel vm1, $0xFFFFFFFF, v1;
	v2 =	vand.u32 $0x7, v2  }
0x37: {  	v3 =	vld.msk [tilespmem:s17+$0x0 ss:$0x1], $0xffff;
	v2 =	vsel vm1, $0xFFFFFFFF, v2;
	v63 =	vshll.u32 v1, $0x3  }
0x38: {  	v5 =	vand.u32 $0xFFFF8000, v2;
	v4 =	vand.u32 $0xFFFFFC00, v63;
	v2 =	vshll.u32 v2, $0x7  }
0x39: {  	s31 =	sshll.u32 s12, $0x7;
	s15 =	sor.u32 $0x100, s14;
	(ifvalue) =	ssetifvalue $0x7FFFFFFF;
	v4 =	vadd.s32 v4, v5;
	v2 =	vand.u32 $0x380, v2  }
0x3a: {  	[tilespmem:s15], [sflag:$0x1] =	stream.indirect_vreg.gather [hbm4b:s3+s10], $0x1, v0, vm0, $0x4038;
	v0 =	vand.u32 $0x7F, v1;
	v1 =	vor.u32 v2, v4;
	[tilespmem:$0x200] =	vst v63  }
0x3b: {  	s14 =	sand.u32 $0x80, s31;
	v0 =	vor.u32 v0, v1  }
0x3c: {  	s16 =	simm.s32 $0x20;
	s14 =	sor.u32 $0x100, s14;
	s17 =	sadd.s32 $0x10, s17;
	vm1 =	veq.s32 v3, $0x80000000;
	v2 =	vshrl.u32 v3, $0xC;
	v1 =	vand.u32 $0xFFF, v3  }
.LBB2_3:
0x3d: {  	v3 =	vld.msk [tilespmem:s17+$0x0 ss:$0x1], $0xffff;
	s16 =	sadd.s32 $0x10, s16;
	v1 =	vsel vm1, $0xFFFFFFFF, v1;
	v2 =	vand.u32 $0x7, v2  }
0x3e: {  	p1 =	slt.u32 s16, $0x70;
	v2 =	vsel vm1, $0xFFFFFFFF, v2;
	v4 =	vshll.u32 v1, $0x3  }
.Ltmp3:
0x3f: {  	s15 =	sadd.s32 $0x10, s15;
	v5 =	vand.u32 $0xFFFF8000, v2;
	v4 =	vand.u32 $0xFFFFFC00, v4;
	v2 =	vshll.u32 v2, $0x7;
	(ifvalue) =	ssetifvalue $0x7FFFFFFF;
	(pc) =	sbr.rel @p1 .LBB2_3-.Ltmp3, $4  }
0x40: {  	v4 =	vadd.s32 v4, v5;
	v2 =	vand.u32 $0x380, v2;
	[tilespmem:s15], [sflag:$0x1] =	stream.indirect_vreg.gather [hbm4b:s3+s10], $0x1, v0, vm0, $0x4038;
	[tilespmem:$0x200] =	vst v63  }
0x41: {  	v0 =	vand.u32 $0x7F, v1;
	v1 =	vor.u32 v2, v4  }
0x42: {  	v0 =	vor.u32 v0, v1  }
0x43: {  	s17 =	sadd.s32 $0x10, s17;
	vm1 =	veq.s32 v3, $0x80000000;
	v1 =	vand.u32 $0xFFF, v3;
	v2 =	vshrl.u32 v3, $0xC  }
.Ltmp4:
0x44: {  	_ = 	snop;
	(pc) =	sbr.rel .LBB2_4-.Ltmp4, $1  }
0x45: {  	_ =	sdelay $0x3  }
.LBB2_6:
0x46: {  	_ =	sfence.sel $0x180000  }
0x47: {  	s2 =	simm.s32 $0x2;
	[bflag:$0x0] =	sbarrier.arrive $0xFFFF  }
0x48: {  	s30 =	simm.s32 $0x3;
	[sflag:s2] =	ssyncpa.u1 $0x1  }
0x49: {  	s31 =	simm.s32 $0x1;
	[sflag:s30] =	ssyncpa.u1 $0x1  }
0x4a: {  	[sflag:s31] =	ssyncpa.u1 $0x1  }
0x4b: {  	p0 =	sne.s32 s1, $0x0;
	_ =	strace $0x90000047  }
0x4c: {  	s0 =	sadd.s32 @!p0 $0x100000, s0;
	[bflag:$0x2] =	sbarrier.arrive $0xFFFF  }
0x4d: {  	[sflag:s0] =	ssyncadd.tile.s32 @!p0 $0x1;
	_ =	shalt  }
.Lfunc_end2:
_tile_overlayer_lowered:
.L_overlay_start_2:
0x4e: {  	(tag) =	ssettag $0x2  }
0x4f: {  	s0 =	rddreg [dreg:$0x0];
	s2 =	stileid.u32  }
0x50: {  	s1 =	rddreg [dreg:$0x1];
	p0 =	sne.s32 s2, $0x0  }
0x51: {  	s3 =	rddreg [dreg:$0x2];
	[bflag:$0x3] =	sbarrier.arrive $0xFFFF;
	s2 =	simm.s32 @!p0 $0x1C01  }
0x52: {  	[timem:s3], [sflag:s2] =	dma.local @!p0 [hbm:s0], s1  }
0x53: {  	s0 =	simm.s32 @!p0 $0x1  }
0x54: {  	_ =	swait.ge @!p0 [sflag:s0], s1  }
0x55: {  	s1 =	ssub.s32 @!p0 $0x0, s1;
	[sflag:s0] =	ssyncset.done @!p0 $0x0  }
0x56: {  	[sflag:s0] =	ssyncadd.s32 @!p0 s1  }
0x57: {  	[bflag:$0x3] =	sbarrier.arrive $0xFFFF  }
0x58: {  	_ =	shalt  }

</sc_bundles>
